<compile_context>
chip_gen: v7x
topology: tpu7x:2x2x1
jax: 0.10.2.dev20260603
libtpu: 0.0.44.dev20260713+nightly
codegen_flags: <defaults>
</compile_context>

<pallas_src>
import functools

import jax
import jax.numpy as jnp
from jax import lax
from jax.experimental import pallas as pl
from jax.experimental.pallas import tpu as pltpu
from jax.experimental.pallas import tpu_sc as plsc

_N_ATOMS = 1_000_000
_N_TYPES = 119
_N_PROPS = 128
_N_SYSTEMS = 1024

_NW = 32
_CH = 32_000
_CHUNK = 2_000
_VPC = _CHUNK // 16
_UNROLL = 5


def _sc_hist_body(types_hbm, sys_hbm, t2i_hbm, zeros_hbm, counts_hbm,
                  t2i_v, table_v, types_v, sys_v, tsem, ssem):
  c = lax.axis_index("c")
  s = lax.axis_index("s")
  wid = s * 2 + c
  base = wid * _CH
  nchunks = jnp.minimum(_CH, _N_ATOMS - base) // _CHUNK

  def start_load(ci, buf):
    off = pl.multiple_of(base + ci * _CHUNK, 8)
    pltpu.async_copy(types_hbm.at[pl.ds(off, _CHUNK)], types_v.at[buf],
                     tsem.at[buf])
    pltpu.async_copy(sys_hbm.at[pl.ds(off, _CHUNK)], sys_v.at[buf],
                     ssem.at[buf])

  def wait_load(ci, buf):
    off = pl.multiple_of(base + ci * _CHUNK, 8)
    pltpu.make_async_copy(types_hbm.at[pl.ds(off, _CHUNK)], types_v.at[buf],
                          tsem.at[buf]).wait()
    pltpu.make_async_copy(sys_hbm.at[pl.ds(off, _CHUNK)], sys_v.at[buf],
                          ssem.at[buf]).wait()

  pltpu.sync_copy(t2i_hbm, t2i_v.at[pl.ds(0, _N_TYPES)])
  start_load(0, 0)
  pltpu.sync_copy(zeros_hbm, table_v)
  ones = jnp.full((16,), 1.0, jnp.float32)

  def chunk_body(ci, carry):
    buf = lax.rem(ci, 2)

    @pl.when(ci + 1 < nchunks)
    def _():
      start_load(ci + 1, 1 - buf)

    wait_load(ci, buf)

    def vec_body(vi):
      t = types_v[buf, pl.ds(vi * 16, 16)]
      sy = sys_v[buf, pl.ds(vi * 16, 16)]
      row = plsc.load_gather(t2i_v, [t])
      plsc.addupdate_scatter(table_v, [sy, row], ones)

    plsc.parallel_loop(0, _VPC, 1, unroll=_UNROLL)(vec_body)
    return carry

  lax.fori_loop(0, nchunks, chunk_body, 0)
  pltpu.sync_copy(table_v, counts_hbm.at[wid])


_sc_hist = pl.kernel(
    _sc_hist_body,
    out_type=jax.ShapeDtypeStruct((_NW, _N_SYSTEMS, _N_TYPES), jnp.float32),
    mesh=plsc.VectorSubcoreMesh(core_axis_name="c", subcore_axis_name="s"),
    scratch_types=[
        pltpu.VMEM((128,), jnp.int32),
        pltpu.VMEM((_N_SYSTEMS, _N_TYPES), jnp.float32),
        pltpu.VMEM((2, _CHUNK), jnp.int32),
        pltpu.VMEM((2, _CHUNK), jnp.int32),
        pltpu.SemaphoreType.DMA((2,)),
        pltpu.SemaphoreType.DMA((2,)),
    ],
    compiler_params=pltpu.CompilerParams(
        needs_layout_passes=False, use_tc_tiling_on_sc=False),
)


def _tc_body(counts_ref, w_ref, out_ref):
  c = jnp.sum(counts_ref[...], axis=0)
  out_ref[...] = jnp.dot(c, w_ref[...], preferred_element_type=jnp.float32,
                         precision=lax.Precision.HIGHEST)


_SYS_BLK = 128


def _tc_reduce_matmul(counts, weights):
  grid = _N_SYSTEMS // _SYS_BLK
  return pl.pallas_call(
      _tc_body,
      grid=(grid,),
      in_specs=[
          pl.BlockSpec((_NW, _SYS_BLK, _N_TYPES), lambda i: (0, i, 0)),
          pl.BlockSpec((_N_TYPES, _N_PROPS), lambda i: (0, 0)),
      ],
      out_specs=pl.BlockSpec((_SYS_BLK, _N_PROPS), lambda i: (i, 0)),
      out_shape=jax.ShapeDtypeStruct((_N_SYSTEMS, _N_PROPS), jnp.float32),
  )(counts, weights)


@jax.jit
def kernel(weights, types, system_indices, type_to_index):
  zeros = jnp.zeros((_N_SYSTEMS, _N_TYPES), jnp.float32)
  counts = _sc_hist(types, system_indices, type_to_index, zeros)
  return _tc_reduce_matmul(counts, weights)

# --- scband reference (transcript-rebuilt; emitter-appended) ---
"""Pipeline reference for scband-base-composition-model-32530082300273 (READ-ONLY COPY).

The authoritative reference and input builder live on the scoring server;
editing this copy changes nothing except your own understanding.
"""

import jax, jax.numpy as jnp
import numpy as np

N_ATOMS = 1000000
N_TYPES = 119
N_PROPS = 128
N_SYSTEMS = 1024


def setup_inputs(seed: int = 0) -> dict:
    key = jax.random.key(seed)
    k1, k2, k3 = jax.random.split(key, 3)
    # atom types for every atom in the batch of systems (values must lie in atomic_types)
    types = jax.random.randint(k1, (N_ATOMS,), 0, N_TYPES, dtype=jnp.int32)
    # which system each atom belongs to (sorted, like concatenated systems)
    system_indices = jnp.sort(jax.random.randint(k2, (N_ATOMS,), 0, N_SYSTEMS, dtype=jnp.int32))
    # fitted composition weights: one row per atomic type (the 'embedding table')
    weights = jax.random.normal(k3, (N_TYPES, N_PROPS), dtype=jnp.float32) * 0.05
    # type -> row-index lookup buffer (identity here since atomic_types = 0..118)
    atomic_types = jnp.arange(N_TYPES, dtype=jnp.int32)
    type_to_index = jnp.zeros((N_TYPES,), dtype=jnp.int32).at[atomic_types].set(
        jnp.arange(N_TYPES, dtype=jnp.int32)
    )
    return {
        "weights": weights,
        "types": types,
        "system_indices": system_indices,
        "type_to_index": type_to_index,
    }


def reference(weights, types, system_indices, type_to_index):
    # composition model forward: per-atom prediction is an embedding lookup of the
    # fitted weight row for that atom's chemical type, then (for 'per_structure'
    # targets like energy) summed over atoms of each system.
    idx = jnp.take(type_to_index, types, axis=0)          # gather: type -> row index
    per_atom = jnp.take(weights, idx, axis=0)             # embedding lookup [N_ATOMS, N_PROPS]
    per_structure = jax.ops.segment_sum(
        per_atom, system_indices, num_segments=N_SYSTEMS
    )                                                      # [N_SYSTEMS, N_PROPS]
    return per_structure

if __name__ == "__main__":
    import jax
    _d = setup_inputs()
    print(jax.jit(kernel)(*tuple(_d.values())))

</pallas_src>

<mosaic_0001>
#map = affine_map<(d0, d1) -> (0)>
#map1 = affine_map<(d0, d1) -> (0, 0)>
#map2 = affine_map<(d0, d1) -> (0, 0, 0)>
module attributes {stable_mosaic.version = 14 : i64} {
  func.func @_sc_hist_body(%arg0: i32, %arg1: i32, %arg2: memref<1000000xi32, #tpu.memory_space<hbm>>, %arg3: memref<1000000xi32, #tpu.memory_space<hbm>>, %arg4: memref<119xi32, #tpu.memory_space<hbm>>, %arg5: memref<1024x119xf32, #tpu.memory_space<hbm>>, %arg6: memref<32x1024x119xf32, #tpu.memory_space<hbm>>, %arg7: memref<128xi32, #tpu.memory_space<vmem>>, %arg8: memref<1024x119xf32, #tpu.memory_space<vmem>>, %arg9: memref<2x2000xi32, #tpu.memory_space<vmem>>, %arg10: memref<2x2000xi32, #tpu.memory_space<vmem>>, %arg11: memref<2x!tpu.dma_semaphore, #tpu.memory_space<semaphore_mem>>, %arg12: memref<2x!tpu.dma_semaphore, #tpu.memory_space<semaphore_mem>>) attributes {dimension_semantics = [#tpu.dimension_semantics<core_parallel>, #tpu.dimension_semantics<subcore_parallel>], iteration_bounds = array<i64: 2, 16>, scalar_prefetch = 0 : i64, scratch_operands = 6 : i64, tpu.core_type = #tpu.core_type<sc_vector_subcore>, window_params = [{transform_indices = #map}, {transform_indices = #map}, {transform_indices = #map}, {transform_indices = #map1}, {transform_indices = #map2}]} {
    %mul3A = arith.constant 2 : i32
    %mul3A_0 = arith.muli %arg1, %mul3A : i32
    %add3A = arith.addi %mul3A_0, %arg0 : i32
    %mul3A_1 = arith.constant 32000 : i32
    %mul3A_2 = arith.muli %add3A, %mul3A_1 : i32
    %sub3A = arith.constant 1000000 : i32
    %sub3A_3 = arith.subi %sub3A, %mul3A_2 : i32
    %min3A = arith.constant 32000 : i32
    %min3A_4 = arith.minsi %min3A, %sub3A_3 : i32
    %jit3A = arith.constant 2000 : i32
    %div3A = arith.divsi %min3A_4, %jit3A : i32
    %sign3A = arith.constant 0 : i32
    %sign3A_5 = arith.cmpi sgt, %min3A_4, %sign3A : i32
    %sign3A_6 = arith.extui %sign3A_5 : i1 to i32
    %sign3A_7 = arith.constant 0 : i32
    %sign3A_8 = arith.cmpi slt, %min3A_4, %sign3A_7 : i32
    %sign3A_9 = arith.extui %sign3A_8 : i1 to i32
    %sign3A_10 = arith.subi %sign3A_6, %sign3A_9 : i32
    %sign3A_11 = arith.constant 0 : i32
    %sign3A_12 = arith.cmpi sgt, %jit3A, %sign3A_11 : i32
    %sign3A_13 = arith.extui %sign3A_12 : i1 to i32
    %sign3A_14 = arith.constant 0 : i32
    %sign3A_15 = arith.cmpi slt, %jit3A, %sign3A_14 : i32
    %sign3A_16 = arith.extui %sign3A_15 : i1 to i32
    %sign3A_17 = arith.subi %sign3A_13, %sign3A_16 : i32
    %ne3A = arith.cmpi ne, %sign3A_10, %sign3A_17 : i32
    %rem3A = arith.remsi %min3A_4, %jit3A : i32
    %ne3A_18 = arith.constant 0 : i32
    %ne3A_19 = arith.cmpi ne, %rem3A, %ne3A_18 : i32
    %and3A = arith.andi %ne3A, %ne3A_19 : i1
    %sub3A_20 = arith.constant 1 : i32
    %sub3A_21 = arith.subi %div3A, %sub3A_20 : i32
    %select_n3A = arith.select %and3A, %sub3A_21, %div3A : i32
    "tpu.region"() ({
      %run_scoped3A = tpu.sem_alloc : memref<!tpu.dma_semaphore, #tpu.memory_space<semaphore_mem>>
      %dma_start3A_57 = arith.constant 0 : i32
      %dma_start3A_58 = tpu.memref_slice %arg7[%dma_start3A_57] : memref<128xi32, #tpu.memory_space<vmem>> -> memref<119xi32, #tpu.memory_space<vmem>>
      %dma_start3A_59 = arith.constant 0 : i32
      %dma_start3A_60 = tpu.memref_slice %arg7[%dma_start3A_59] : memref<128xi32, #tpu.memory_space<vmem>> -> memref<119xi32, #tpu.memory_space<vmem>>
      tpu.enqueue_dma source(%arg4 : memref<119xi32, #tpu.memory_space<hbm>>) target(%dma_start3A_60 : memref<119xi32, #tpu.memory_space<vmem>>) target_semaphore(%run_scoped3A : memref<!tpu.dma_semaphore, #tpu.memory_space<semaphore_mem>>)
      %dma_wait3A = arith.constant 0 : i32
      %dma_wait3A_61 = tpu.memref_slice %arg7[%dma_wait3A] : memref<128xi32, #tpu.memory_space<vmem>> -> memref<119xi32, #tpu.memory_space<vmem>>
      %dma_wait3A_62 = arith.constant 0 : i32
      %dma_wait3A_63 = tpu.memref_slice %arg7[%dma_wait3A_62] : memref<128xi32, #tpu.memory_space<vmem>> -> memref<119xi32, #tpu.memory_space<vmem>>
      tpu.wait_dma2 semaphore(%run_scoped3A : memref<!tpu.dma_semaphore, #tpu.memory_space<semaphore_mem>>) src(%arg4 : memref<119xi32, #tpu.memory_space<hbm>>) dst(%dma_wait3A_63 : memref<119xi32, #tpu.memory_space<vmem>>)
      tpu.yield
    }) : () -> ()
    %add3A_22 = arith.constant 0 : i32
    %add3A_23 = arith.addi %mul3A_2, %add3A_22 : i32
    %multiple_of3A = tpu.assume_multiple %add3A_23, 8 : i32
    %dma_start3A = arith.constant 0 : i32
    %dma_start3A_24 = arith.constant 0 : i32
    %dma_start3A_25 = arith.constant 0 : i32
    %dma_start3A_26 = tpu.memref_slice %arg9[%dma_start3A, %dma_start3A_25] : memref<2x2000xi32, #tpu.memory_space<vmem>> -> memref<1x2000xi32, #tpu.memory_space<vmem>>
    %dma_start3A_27 = tpu.memref_squeeze %dma_start3A_26 : memref<1x2000xi32, #tpu.memory_space<vmem>> -> memref<2000xi32, #tpu.memory_space<vmem>>
    %dma_start3A_28 = tpu.memref_slice %arg2[%multiple_of3A] : memref<1000000xi32, #tpu.memory_space<hbm>> -> memref<2000xi32, #tpu.memory_space<hbm>>
    %dma_start3A_29 = tpu.memref_slice %arg11[%dma_start3A_24] : memref<2x!tpu.dma_semaphore, #tpu.memory_space<semaphore_mem>> -> memref<1x!tpu.dma_semaphore, #tpu.memory_space<semaphore_mem>>
    %dma_start3A_30 = tpu.memref_squeeze %dma_start3A_29 : memref<1x!tpu.dma_semaphore, #tpu.memory_space<semaphore_mem>> -> memref<!tpu.dma_semaphore, #tpu.memory_space<semaphore_mem>>
    %dma_start3A_31 = arith.constant 0 : i32
    %dma_start3A_32 = tpu.memref_slice %arg9[%dma_start3A, %dma_start3A_31] : memref<2x2000xi32, #tpu.memory_space<vmem>> -> memref<1x2000xi32, #tpu.memory_space<vmem>>
    %dma_start3A_33 = tpu.memref_squeeze %dma_start3A_32 : memref<1x2000xi32, #tpu.memory_space<vmem>> -> memref<2000xi32, #tpu.memory_space<vmem>>
    %dma_start3A_34 = tpu.memref_slice %arg2[%multiple_of3A] : memref<1000000xi32, #tpu.memory_space<hbm>> -> memref<2000xi32, #tpu.memory_space<hbm>>
    tpu.enqueue_dma source(%dma_start3A_34 : memref<2000xi32, #tpu.memory_space<hbm>>) target(%dma_start3A_33 : memref<2000xi32, #tpu.memory_space<vmem>>) target_semaphore(%dma_start3A_30 : memref<!tpu.dma_semaphore, #tpu.memory_space<semaphore_mem>>)
    %dma_start3A_35 = arith.constant 0 : i32
    %dma_start3A_36 = arith.constant 0 : i32
    %dma_start3A_37 = arith.constant 0 : i32
    %dma_start3A_38 = tpu.memref_slice %arg10[%dma_start3A_35, %dma_start3A_37] : memref<2x2000xi32, #tpu.memory_space<vmem>> -> memref<1x2000xi32, #tpu.memory_space<vmem>>
    %dma_start3A_39 = tpu.memref_squeeze %dma_start3A_38 : memref<1x2000xi32, #tpu.memory_space<vmem>> -> memref<2000xi32, #tpu.memory_space<vmem>>
    %dma_start3A_40 = tpu.memref_slice %arg3[%multiple_of3A] : memref<1000000xi32, #tpu.memory_space<hbm>> -> memref<2000xi32, #tpu.memory_space<hbm>>
    %dma_start3A_41 = tpu.memref_slice %arg12[%dma_start3A_36] : memref<2x!tpu.dma_semaphore, #tpu.memory_space<semaphore_mem>> -> memref<1x!tpu.dma_semaphore, #tpu.memory_space<semaphore_mem>>
    %dma_start3A_42 = tpu.memref_squeeze %dma_start3A_41 : memref<1x!tpu.dma_semaphore, #tpu.memory_space<semaphore_mem>> -> memref<!tpu.dma_semaphore, #tpu.memory_space<semaphore_mem>>
    %dma_start3A_43 = arith.constant 0 : i32
    %dma_start3A_44 = tpu.memref_slice %arg10[%dma_start3A_35, %dma_start3A_43] : memref<2x2000xi32, #tpu.memory_space<vmem>> -> memref<1x2000xi32, #tpu.memory_space<vmem>>
    %dma_start3A_45 = tpu.memref_squeeze %dma_start3A_44 : memref<1x2000xi32, #tpu.memory_space<vmem>> -> memref<2000xi32, #tpu.memory_space<vmem>>
    %dma_start3A_46 = tpu.memref_slice %arg3[%multiple_of3A] : memref<1000000xi32, #tpu.memory_space<hbm>> -> memref<2000xi32, #tpu.memory_space<hbm>>
    tpu.enqueue_dma source(%dma_start3A_46 : memref<2000xi32, #tpu.memory_space<hbm>>) target(%dma_start3A_45 : memref<2000xi32, #tpu.memory_space<vmem>>) target_semaphore(%dma_start3A_42 : memref<!tpu.dma_semaphore, #tpu.memory_space<semaphore_mem>>)
    "tpu.region"() ({
      %run_scoped3A = tpu.sem_alloc : memref<!tpu.dma_semaphore, #tpu.memory_space<semaphore_mem>>
      tpu.enqueue_dma source(%arg5 : memref<1024x119xf32, #tpu.memory_space<hbm>>) target(%arg8 : memref<1024x119xf32, #tpu.memory_space<vmem>>) target_semaphore(%run_scoped3A : memref<!tpu.dma_semaphore, #tpu.memory_space<semaphore_mem>>)
      tpu.wait_dma2 semaphore(%run_scoped3A : memref<!tpu.dma_semaphore, #tpu.memory_space<semaphore_mem>>) src(%arg5 : memref<1024x119xf32, #tpu.memory_space<hbm>>) dst(%arg8 : memref<1024x119xf32, #tpu.memory_space<vmem>>)
      tpu.yield
    }) : () -> ()
    %broadcast_in_dim3A = arith.constant 1.000000e+00 : f32
    %broadcast_in_dim3A_47 = vector.broadcast %broadcast_in_dim3A : f32 to vector<16xf32>
    %while3A = arith.constant 0 : i32
    %while3A_48 = arith.constant 0 : i32
    %while3A_49 = arith.subi %select_n3A, %while3A_48 : i32
    %while3A_50 = arith.addi %while3A_48, %while3A_49 : i32
    %while3A_51 = arith.constant 1 : i32
    %while3A_52 = arith.divsi %while3A_49, %while3A_51 : i32
    %while3A_53 = arith.muli %while3A_52, %while3A_51 : i32
    %while3A_54 = arith.addi %while3A_48, %while3A_53 : i32
    %while3A_55 = arith.constant 1 : i32
    scf.for %while3A_57 = %while3A_48 to %while3A_54 step %while3A_55  : i32 {
      %rem3A_58 = arith.constant 2 : i32
      %rem3A_59 = arith.remsi %while3A_57, %rem3A_58 : i32
      %add3A_60 = arith.constant 1 : i32
      %add3A_61 = arith.addi %while3A_57, %add3A_60 : i32
      %lt3A = arith.cmpi slt, %add3A_61, %select_n3A : i32
      %convert_element_type3A = arith.extui %lt3A : i1 to i32
      %cond3A = arith.constant 0 : i32
      %cond3A_62 = arith.cmpi ne, %convert_element_type3A, %cond3A : i32
      scf.if %cond3A_62 {
        %add3A_88 = arith.constant 1 : i32
        %add3A_89 = arith.addi %while3A_57, %add3A_88 : i32
        %sub3A_90 = arith.constant 1 : i32
        %sub3A_91 = arith.subi %sub3A_90, %rem3A_59 : i32
        %mul3A_92 = arith.constant 2000 : i32
        %mul3A_93 = arith.muli %add3A_89, %mul3A_92 : i32
        %add3A_94 = arith.addi %mul3A_2, %mul3A_93 : i32
        %multiple_of3A_95 = tpu.assume_multiple %add3A_94, 8 : i32
        %dma_start3A_96 = arith.constant 0 : i32
        %dma_start3A_97 = tpu.memref_slice %arg9[%sub3A_91, %dma_start3A_96] : memref<2x2000xi32, #tpu.memory_space<vmem>> -> memref<1x2000xi32, #tpu.memory_space<vmem>>
        %dma_start3A_98 = tpu.memref_squeeze %dma_start3A_97 : memref<1x2000xi32, #tpu.memory_space<vmem>> -> memref<2000xi32, #tpu.memory_space<vmem>>
        %dma_start3A_99 = tpu.memref_slice %arg2[%multiple_of3A_95] : memref<1000000xi32, #tpu.memory_space<hbm>> -> memref<2000xi32, #tpu.memory_space<hbm>>
        %dma_start3A_100 = tpu.memref_slice %arg11[%sub3A_91] : memref<2x!tpu.dma_semaphore, #tpu.memory_space<semaphore_mem>> -> memref<1x!tpu.dma_semaphore, #tpu.memory_space<semaphore_mem>>
        %dma_start3A_101 = tpu.memref_squeeze %dma_start3A_100 : memref<1x!tpu.dma_semaphore, #tpu.memory_space<semaphore_mem>> -> memref<!tpu.dma_semaphore, #tpu.memory_space<semaphore_mem>>
        %dma_start3A_102 = arith.constant 0 : i32
        %dma_start3A_103 = tpu.memref_slice %arg9[%sub3A_91, %dma_start3A_102] : memref<2x2000xi32, #tpu.memory_space<vmem>> -> memref<1x2000xi32, #tpu.memory_space<vmem>>
        %dma_start3A_104 = tpu.memref_squeeze %dma_start3A_103 : memref<1x2000xi32, #tpu.memory_space<vmem>> -> memref<2000xi32, #tpu.memory_space<vmem>>
        %dma_start3A_105 = tpu.memref_slice %arg2[%multiple_of3A_95] : memref<1000000xi32, #tpu.memory_space<hbm>> -> memref<2000xi32, #tpu.memory_space<hbm>>
        tpu.enqueue_dma source(%dma_start3A_105 : memref<2000xi32, #tpu.memory_space<hbm>>) target(%dma_start3A_104 : memref<2000xi32, #tpu.memory_space<vmem>>) target_semaphore(%dma_start3A_101 : memref<!tpu.dma_semaphore, #tpu.memory_space<semaphore_mem>>)
        %dma_start3A_106 = arith.constant 0 : i32
        %dma_start3A_107 = tpu.memref_slice %arg10[%sub3A_91, %dma_start3A_106] : memref<2x2000xi32, #tpu.memory_space<vmem>> -> memref<1x2000xi32, #tpu.memory_space<vmem>>
        %dma_start3A_108 = tpu.memref_squeeze %dma_start3A_107 : memref<1x2000xi32, #tpu.memory_space<vmem>> -> memref<2000xi32, #tpu.memory_space<vmem>>
        %dma_start3A_109 = tpu.memref_slice %arg3[%multiple_of3A_95] : memref<1000000xi32, #tpu.memory_space<hbm>> -> memref<2000xi32, #tpu.memory_space<hbm>>
        %dma_start3A_110 = tpu.memref_slice %arg12[%sub3A_91] : memref<2x!tpu.dma_semaphore, #tpu.memory_space<semaphore_mem>> -> memref<1x!tpu.dma_semaphore, #tpu.memory_space<semaphore_mem>>
        %dma_start3A_111 = tpu.memref_squeeze %dma_start3A_110 : memref<1x!tpu.dma_semaphore, #tpu.memory_space<semaphore_mem>> -> memref<!tpu.dma_semaphore, #tpu.memory_space<semaphore_mem>>
        %dma_start3A_112 = arith.constant 0 : i32
        %dma_start3A_113 = tpu.memref_slice %arg10[%sub3A_91, %dma_start3A_112] : memref<2x2000xi32, #tpu.memory_space<vmem>> -> memref<1x2000xi32, #tpu.memory_space<vmem>>
        %dma_start3A_114 = tpu.memref_squeeze %dma_start3A_113 : memref<1x2000xi32, #tpu.memory_space<vmem>> -> memref<2000xi32, #tpu.memory_space<vmem>>
        %dma_start3A_115 = tpu.memref_slice %arg3[%multiple_of3A_95] : memref<1000000xi32, #tpu.memory_space<hbm>> -> memref<2000xi32, #tpu.memory_space<hbm>>
        tpu.enqueue_dma source(%dma_start3A_115 : memref<2000xi32, #tpu.memory_space<hbm>>) target(%dma_start3A_114 : memref<2000xi32, #tpu.memory_space<vmem>>) target_semaphore(%dma_start3A_111 : memref<!tpu.dma_semaphore, #tpu.memory_space<semaphore_mem>>)
      } else {
      }
      %mul3A_63 = arith.constant 2000 : i32
      %mul3A_64 = arith.muli %while3A_57, %mul3A_63 : i32
      %add3A_65 = arith.addi %mul3A_2, %mul3A_64 : i32
      %multiple_of3A_66 = tpu.assume_multiple %add3A_65, 8 : i32
      %dma_wait3A = arith.constant 0 : i32
      %dma_wait3A_67 = tpu.memref_slice %arg9[%rem3A_59, %dma_wait3A] : memref<2x2000xi32, #tpu.memory_space<vmem>> -> memref<1x2000xi32, #tpu.memory_space<vmem>>
      %dma_wait3A_68 = tpu.memref_squeeze %dma_wait3A_67 : memref<1x2000xi32, #tpu.memory_space<vmem>> -> memref<2000xi32, #tpu.memory_space<vmem>>
      %dma_wait3A_69 = tpu.memref_slice %arg2[%multiple_of3A_66] : memref<1000000xi32, #tpu.memory_space<hbm>> -> memref<2000xi32, #tpu.memory_space<hbm>>
      %dma_wait3A_70 = tpu.memref_slice %arg11[%rem3A_59] : memref<2x!tpu.dma_semaphore, #tpu.memory_space<semaphore_mem>> -> memref<1x!tpu.dma_semaphore, #tpu.memory_space<semaphore_mem>>
      %dma_wait3A_71 = tpu.memref_squeeze %dma_wait3A_70 : memref<1x!tpu.dma_semaphore, #tpu.memory_space<semaphore_mem>> -> memref<!tpu.dma_semaphore, #tpu.memory_space<semaphore_mem>>
      %dma_wait3A_72 = arith.constant 0 : i32
      %dma_wait3A_73 = tpu.memref_slice %arg9[%rem3A_59, %dma_wait3A_72] : memref<2x2000xi32, #tpu.memory_space<vmem>> -> memref<1x2000xi32, #tpu.memory_space<vmem>>
      %dma_wait3A_74 = tpu.memref_squeeze %dma_wait3A_73 : memref<1x2000xi32, #tpu.memory_space<vmem>> -> memref<2000xi32, #tpu.memory_space<vmem>>
      %dma_wait3A_75 = tpu.memref_slice %arg2[%multiple_of3A_66] : memref<1000000xi32, #tpu.memory_space<hbm>> -> memref<2000xi32, #tpu.memory_space<hbm>>
      tpu.wait_dma2 semaphore(%dma_wait3A_71 : memref<!tpu.dma_semaphore, #tpu.memory_space<semaphore_mem>>) src(%dma_wait3A_75 : memref<2000xi32, #tpu.memory_space<hbm>>) dst(%dma_wait3A_74 : memref<2000xi32, #tpu.memory_space<vmem>>)
      %dma_wait3A_76 = arith.constant 0 : i32
      %dma_wait3A_77 = tpu.memref_slice %arg10[%rem3A_59, %dma_wait3A_76] : memref<2x2000xi32, #tpu.memory_space<vmem>> -> memref<1x2000xi32, #tpu.memory_space<vmem>>
      %dma_wait3A_78 = tpu.memref_squeeze %dma_wait3A_77 : memref<1x2000xi32, #tpu.memory_space<vmem>> -> memref<2000xi32, #tpu.memory_space<vmem>>
      %dma_wait3A_79 = tpu.memref_slice %arg3[%multiple_of3A_66] : memref<1000000xi32, #tpu.memory_space<hbm>> -> memref<2000xi32, #tpu.memory_space<hbm>>
      %dma_wait3A_80 = tpu.memref_slice %arg12[%rem3A_59] : memref<2x!tpu.dma_semaphore, #tpu.memory_space<semaphore_mem>> -> memref<1x!tpu.dma_semaphore, #tpu.memory_space<semaphore_mem>>
      %dma_wait3A_81 = tpu.memref_squeeze %dma_wait3A_80 : memref<1x!tpu.dma_semaphore, #tpu.memory_space<semaphore_mem>> -> memref<!tpu.dma_semaphore, #tpu.memory_space<semaphore_mem>>
      %dma_wait3A_82 = arith.constant 0 : i32
      %dma_wait3A_83 = tpu.memref_slice %arg10[%rem3A_59, %dma_wait3A_82] : memref<2x2000xi32, #tpu.memory_space<vmem>> -> memref<1x2000xi32, #tpu.memory_space<vmem>>
      %dma_wait3A_84 = tpu.memref_squeeze %dma_wait3A_83 : memref<1x2000xi32, #tpu.memory_space<vmem>> -> memref<2000xi32, #tpu.memory_space<vmem>>
      %dma_wait3A_85 = tpu.memref_slice %arg3[%multiple_of3A_66] : memref<1000000xi32, #tpu.memory_space<hbm>> -> memref<2000xi32, #tpu.memory_space<hbm>>
      tpu.wait_dma2 semaphore(%dma_wait3A_81 : memref<!tpu.dma_semaphore, #tpu.memory_space<semaphore_mem>>) src(%dma_wait3A_85 : memref<2000xi32, #tpu.memory_space<hbm>>) dst(%dma_wait3A_84 : memref<2000xi32, #tpu.memory_space<vmem>>)
      %parallel_loop3A = arith.constant 0 : i32
      %parallel_loop3A_86 = arith.constant 125 : i32
      %parallel_loop3A_87 = arith.constant 1 : i32
      scf.for %parallel_loop3A_88 = %parallel_loop3A to %parallel_loop3A_86 step %parallel_loop3A_87  : i32 {
        %parallel_loop3A_89 = arith.constant 16 : i32
        %parallel_loop3A_90 = arith.muli %parallel_loop3A_88, %parallel_loop3A_89 : i32
        %parallel_loop3A_91 = arith.index_cast %rem3A_59 : i32 to index
        %parallel_loop3A_92 = arith.index_cast %parallel_loop3A_90 : i32 to index
        %parallel_loop3A_93 = tpu.vector_load %arg9[%parallel_loop3A_91, %parallel_loop3A_92] {strides = array<i32>} : memref<2x2000xi32, #tpu.memory_space<vmem>>, vector<16xi32>,
        %parallel_loop3A_94 = arith.constant 16 : i32
        %parallel_loop3A_95 = arith.muli %parallel_loop3A_88, %parallel_loop3A_94 : i32
        %parallel_loop3A_96 = arith.index_cast %rem3A_59 : i32 to index
        %parallel_loop3A_97 = arith.index_cast %parallel_loop3A_95 : i32 to index
        %parallel_loop3A_98 = tpu.vector_load %arg10[%parallel_loop3A_96, %parallel_loop3A_97] {strides = array<i32>} : memref<2x2000xi32, #tpu.memory_space<vmem>>, vector<16xi32>,
        %parallel_loop3A_99 = tpu.vector_load_idx %arg7[%parallel_loop3A_93] : memref<128xi32, #tpu.memory_space<vmem>>[vector<16xi32>], vector<16xi32>,
        tpu.vector_store_idx %arg8[%parallel_loop3A_98, %parallel_loop3A_99], %broadcast_in_dim3A_47 {add = true} : memref<1024x119xf32, #tpu.memory_space<vmem>>[vector<16xi32>, vector<16xi32>], vector<16xf32>,
      } {sc.loop_unroll_factor = 5 : i64, sc.parallel_access}
    }
    %while3A_56 = arith.constant 1 : i32
    scf.for %while3A_57 = %while3A_54 to %while3A_50 step %while3A_56  : i32 {
      %rem3A_58 = arith.constant 2 : i32
      %rem3A_59 = arith.remsi %while3A_57, %rem3A_58 : i32
      %add3A_60 = arith.constant 1 : i32
      %add3A_61 = arith.addi %while3A_57, %add3A_60 : i32
      %lt3A = arith.cmpi slt, %add3A_61, %select_n3A : i32
      %convert_element_type3A = arith.extui %lt3A : i1 to i32
      %cond3A = arith.constant 0 : i32
      %cond3A_62 = arith.cmpi ne, %convert_element_type3A, %cond3A : i32
      scf.if %cond3A_62 {
        %add3A_88 = arith.constant 1 : i32
        %add3A_89 = arith.addi %while3A_57, %add3A_88 : i32
        %sub3A_90 = arith.constant 1 : i32
        %sub3A_91 = arith.subi %sub3A_90, %rem3A_59 : i32
        %mul3A_92 = arith.constant 2000 : i32
        %mul3A_93 = arith.muli %add3A_89, %mul3A_92 : i32
        %add3A_94 = arith.addi %mul3A_2, %mul3A_93 : i32
        %multiple_of3A_95 = tpu.assume_multiple %add3A_94, 8 : i32
        %dma_start3A_96 = arith.constant 0 : i32
        %dma_start3A_97 = tpu.memref_slice %arg9[%sub3A_91, %dma_start3A_96] : memref<2x2000xi32, #tpu.memory_space<vmem>> -> memref<1x2000xi32, #tpu.memory_space<vmem>>
        %dma_start3A_98 = tpu.memref_squeeze %dma_start3A_97 : memref<1x2000xi32, #tpu.memory_space<vmem>> -> memref<2000xi32, #tpu.memory_space<vmem>>
        %dma_start3A_99 = tpu.memref_slice %arg2[%multiple_of3A_95] : memref<1000000xi32, #tpu.memory_space<hbm>> -> memref<2000xi32, #tpu.memory_space<hbm>>
        %dma_start3A_100 = tpu.memref_slice %arg11[%sub3A_91] : memref<2x!tpu.dma_semaphore, #tpu.memory_space<semaphore_mem>> -> memref<1x!tpu.dma_semaphore, #tpu.memory_space<semaphore_mem>>
        %dma_start3A_101 = tpu.memref_squeeze %dma_start3A_100 : memref<1x!tpu.dma_semaphore, #tpu.memory_space<semaphore_mem>> -> memref<!tpu.dma_semaphore, #tpu.memory_space<semaphore_mem>>
        %dma_start3A_102 = arith.constant 0 : i32
        %dma_start3A_103 = tpu.memref_slice %arg9[%sub3A_91, %dma_start3A_102] : memref<2x2000xi32, #tpu.memory_space<vmem>> -> memref<1x2000xi32, #tpu.memory_space<vmem>>
        %dma_start3A_104 = tpu.memref_squeeze %dma_start3A_103 : memref<1x2000xi32, #tpu.memory_space<vmem>> -> memref<2000xi32, #tpu.memory_space<vmem>>
        %dma_start3A_105 = tpu.memref_slice %arg2[%multiple_of3A_95] : memref<1000000xi32, #tpu.memory_space<hbm>> -> memref<2000xi32, #tpu.memory_space<hbm>>
        tpu.enqueue_dma source(%dma_start3A_105 : memref<2000xi32, #tpu.memory_space<hbm>>) target(%dma_start3A_104 : memref<2000xi32, #tpu.memory_space<vmem>>) target_semaphore(%dma_start3A_101 : memref<!tpu.dma_semaphore, #tpu.memory_space<semaphore_mem>>)
        %dma_start3A_106 = arith.constant 0 : i32
        %dma_start3A_107 = tpu.memref_slice %arg10[%sub3A_91, %dma_start3A_106] : memref<2x2000xi32, #tpu.memory_space<vmem>> -> memref<1x2000xi32, #tpu.memory_space<vmem>>
        %dma_start3A_108 = tpu.memref_squeeze %dma_start3A_107 : memref<1x2000xi32, #tpu.memory_space<vmem>> -> memref<2000xi32, #tpu.memory_space<vmem>>
        %dma_start3A_109 = tpu.memref_slice %arg3[%multiple_of3A_95] : memref<1000000xi32, #tpu.memory_space<hbm>> -> memref<2000xi32, #tpu.memory_space<hbm>>
        %dma_start3A_110 = tpu.memref_slice %arg12[%sub3A_91] : memref<2x!tpu.dma_semaphore, #tpu.memory_space<semaphore_mem>> -> memref<1x!tpu.dma_semaphore, #tpu.memory_space<semaphore_mem>>
        %dma_start3A_111 = tpu.memref_squeeze %dma_start3A_110 : memref<1x!tpu.dma_semaphore, #tpu.memory_space<semaphore_mem>> -> memref<!tpu.dma_semaphore, #tpu.memory_space<semaphore_mem>>
        %dma_start3A_112 = arith.constant 0 : i32
        %dma_start3A_113 = tpu.memref_slice %arg10[%sub3A_91, %dma_start3A_112] : memref<2x2000xi32, #tpu.memory_space<vmem>> -> memref<1x2000xi32, #tpu.memory_space<vmem>>
        %dma_start3A_114 = tpu.memref_squeeze %dma_start3A_113 : memref<1x2000xi32, #tpu.memory_space<vmem>> -> memref<2000xi32, #tpu.memory_space<vmem>>
        %dma_start3A_115 = tpu.memref_slice %arg3[%multiple_of3A_95] : memref<1000000xi32, #tpu.memory_space<hbm>> -> memref<2000xi32, #tpu.memory_space<hbm>>
        tpu.enqueue_dma source(%dma_start3A_115 : memref<2000xi32, #tpu.memory_space<hbm>>) target(%dma_start3A_114 : memref<2000xi32, #tpu.memory_space<vmem>>) target_semaphore(%dma_start3A_111 : memref<!tpu.dma_semaphore, #tpu.memory_space<semaphore_mem>>)
      } else {
      }
      %mul3A_63 = arith.constant 2000 : i32
      %mul3A_64 = arith.muli %while3A_57, %mul3A_63 : i32
      %add3A_65 = arith.addi %mul3A_2, %mul3A_64 : i32
      %multiple_of3A_66 = tpu.assume_multiple %add3A_65, 8 : i32
      %dma_wait3A = arith.constant 0 : i32
      %dma_wait3A_67 = tpu.memref_slice %arg9[%rem3A_59, %dma_wait3A] : memref<2x2000xi32, #tpu.memory_space<vmem>> -> memref<1x2000xi32, #tpu.memory_space<vmem>>
      %dma_wait3A_68 = tpu.memref_squeeze %dma_wait3A_67 : memref<1x2000xi32, #tpu.memory_space<vmem>> -> memref<2000xi32, #tpu.memory_space<vmem>>
      %dma_wait3A_69 = tpu.memref_slice %arg2[%multiple_of3A_66] : memref<1000000xi32, #tpu.memory_space<hbm>> -> memref<2000xi32, #tpu.memory_space<hbm>>
      %dma_wait3A_70 = tpu.memref_slice %arg11[%rem3A_59] : memref<2x!tpu.dma_semaphore, #tpu.memory_space<semaphore_mem>> -> memref<1x!tpu.dma_semaphore, #tpu.memory_space<semaphore_mem>>
      %dma_wait3A_71 = tpu.memref_squeeze %dma_wait3A_70 : memref<1x!tpu.dma_semaphore, #tpu.memory_space<semaphore_mem>> -> memref<!tpu.dma_semaphore, #tpu.memory_space<semaphore_mem>>
      %dma_wait3A_72 = arith.constant 0 : i32
      %dma_wait3A_73 = tpu.memref_slice %arg9[%rem3A_59, %dma_wait3A_72] : memref<2x2000xi32, #tpu.memory_space<vmem>> -> memref<1x2000xi32, #tpu.memory_space<vmem>>
      %dma_wait3A_74 = tpu.memref_squeeze %dma_wait3A_73 : memref<1x2000xi32, #tpu.memory_space<vmem>> -> memref<2000xi32, #tpu.memory_space<vmem>>
      %dma_wait3A_75 = tpu.memref_slice %arg2[%multiple_of3A_66] : memref<1000000xi32, #tpu.memory_space<hbm>> -> memref<2000xi32, #tpu.memory_space<hbm>>
      tpu.wait_dma2 semaphore(%dma_wait3A_71 : memref<!tpu.dma_semaphore, #tpu.memory_space<semaphore_mem>>) src(%dma_wait3A_75 : memref<2000xi32, #tpu.memory_space<hbm>>) dst(%dma_wait3A_74 : memref<2000xi32, #tpu.memory_space<vmem>>)
      %dma_wait3A_76 = arith.constant 0 : i32
      %dma_wait3A_77 = tpu.memref_slice %arg10[%rem3A_59, %dma_wait3A_76] : memref<2x2000xi32, #tpu.memory_space<vmem>> -> memref<1x2000xi32, #tpu.memory_space<vmem>>
      %dma_wait3A_78 = tpu.memref_squeeze %dma_wait3A_77 : memref<1x2000xi32, #tpu.memory_space<vmem>> -> memref<2000xi32, #tpu.memory_space<vmem>>
      %dma_wait3A_79 = tpu.memref_slice %arg3[%multiple_of3A_66] : memref<1000000xi32, #tpu.memory_space<hbm>> -> memref<2000xi32, #tpu.memory_space<hbm>>
      %dma_wait3A_80 = tpu.memref_slice %arg12[%rem3A_59] : memref<2x!tpu.dma_semaphore, #tpu.memory_space<semaphore_mem>> -> memref<1x!tpu.dma_semaphore, #tpu.memory_space<semaphore_mem>>
      %dma_wait3A_81 = tpu.memref_squeeze %dma_wait3A_80 : memref<1x!tpu.dma_semaphore, #tpu.memory_space<semaphore_mem>> -> memref<!tpu.dma_semaphore, #tpu.memory_space<semaphore_mem>>
      %dma_wait3A_82 = arith.constant 0 : i32
      %dma_wait3A_83 = tpu.memref_slice %arg10[%rem3A_59, %dma_wait3A_82] : memref<2x2000xi32, #tpu.memory_space<vmem>> -> memref<1x2000xi32, #tpu.memory_space<vmem>>
      %dma_wait3A_84 = tpu.memref_squeeze %dma_wait3A_83 : memref<1x2000xi32, #tpu.memory_space<vmem>> -> memref<2000xi32, #tpu.memory_space<vmem>>
      %dma_wait3A_85 = tpu.memref_slice %arg3[%multiple_of3A_66] : memref<1000000xi32, #tpu.memory_space<hbm>> -> memref<2000xi32, #tpu.memory_space<hbm>>
      tpu.wait_dma2 semaphore(%dma_wait3A_81 : memref<!tpu.dma_semaphore, #tpu.memory_space<semaphore_mem>>) src(%dma_wait3A_85 : memref<2000xi32, #tpu.memory_space<hbm>>) dst(%dma_wait3A_84 : memref<2000xi32, #tpu.memory_space<vmem>>)
      %parallel_loop3A = arith.constant 0 : i32
      %parallel_loop3A_86 = arith.constant 125 : i32
      %parallel_loop3A_87 = arith.constant 1 : i32
      scf.for %parallel_loop3A_88 = %parallel_loop3A to %parallel_loop3A_86 step %parallel_loop3A_87  : i32 {
        %parallel_loop3A_89 = arith.constant 16 : i32
        %parallel_loop3A_90 = arith.muli %parallel_loop3A_88, %parallel_loop3A_89 : i32
        %parallel_loop3A_91 = arith.index_cast %rem3A_59 : i32 to index
        %parallel_loop3A_92 = arith.index_cast %parallel_loop3A_90 : i32 to index
        %parallel_loop3A_93 = tpu.vector_load %arg9[%parallel_loop3A_91, %parallel_loop3A_92] {strides = array<i32>} : memref<2x2000xi32, #tpu.memory_space<vmem>>, vector<16xi32>,
        %parallel_loop3A_94 = arith.constant 16 : i32
        %parallel_loop3A_95 = arith.muli %parallel_loop3A_88, %parallel_loop3A_94 : i32
        %parallel_loop3A_96 = arith.index_cast %rem3A_59 : i32 to index
        %parallel_loop3A_97 = arith.index_cast %parallel_loop3A_95 : i32 to index
        %parallel_loop3A_98 = tpu.vector_load %arg10[%parallel_loop3A_96, %parallel_loop3A_97] {strides = array<i32>} : memref<2x2000xi32, #tpu.memory_space<vmem>>, vector<16xi32>,
        %parallel_loop3A_99 = tpu.vector_load_idx %arg7[%parallel_loop3A_93] : memref<128xi32, #tpu.memory_space<vmem>>[vector<16xi32>], vector<16xi32>,
        tpu.vector_store_idx %arg8[%parallel_loop3A_98, %parallel_loop3A_99], %broadcast_in_dim3A_47 {add = true} : memref<1024x119xf32, #tpu.memory_space<vmem>>[vector<16xi32>, vector<16xi32>], vector<16xf32>,
      } {sc.loop_unroll_factor = 5 : i64, sc.parallel_access}
    }
    "tpu.region"() ({
      %run_scoped3A = tpu.sem_alloc : memref<!tpu.dma_semaphore, #tpu.memory_space<semaphore_mem>>
      %dma_start3A_57 = arith.constant 0 : i32
      %dma_start3A_58 = arith.constant 0 : i32
      %dma_start3A_59 = tpu.memref_slice %arg6[%add3A, %dma_start3A_57, %dma_start3A_58] : memref<32x1024x119xf32, #tpu.memory_space<hbm>> -> memref<1x1024x119xf32, #tpu.memory_space<hbm>>
      %dma_start3A_60 = tpu.memref_squeeze %dma_start3A_59 : memref<1x1024x119xf32, #tpu.memory_space<hbm>> -> memref<1024x119xf32, #tpu.memory_space<hbm>>
      %dma_start3A_61 = arith.constant 0 : i32
      %dma_start3A_62 = arith.constant 0 : i32
      %dma_start3A_63 = tpu.memref_slice %arg6[%add3A, %dma_start3A_61, %dma_start3A_62] : memref<32x1024x119xf32, #tpu.memory_space<hbm>> -> memref<1x1024x119xf32, #tpu.memory_space<hbm>>
      %dma_start3A_64 = tpu.memref_squeeze %dma_start3A_63 : memref<1x1024x119xf32, #tpu.memory_space<hbm>> -> memref<1024x119xf32, #tpu.memory_space<hbm>>
      tpu.enqueue_dma source(%arg8 : memref<1024x119xf32, #tpu.memory_space<vmem>>) target(%dma_start3A_64 : memref<1024x119xf32, #tpu.memory_space<hbm>>) target_semaphore(%run_scoped3A : memref<!tpu.dma_semaphore, #tpu.memory_space<semaphore_mem>>)
      %dma_wait3A = arith.constant 0 : i32
      %dma_wait3A_65 = arith.constant 0 : i32
      %dma_wait3A_66 = tpu.memref_slice %arg6[%add3A, %dma_wait3A, %dma_wait3A_65] : memref<32x1024x119xf32, #tpu.memory_space<hbm>> -> memref<1x1024x119xf32, #tpu.memory_space<hbm>>
      %dma_wait3A_67 = tpu.memref_squeeze %dma_wait3A_66 : memref<1x1024x119xf32, #tpu.memory_space<hbm>> -> memref<1024x119xf32, #tpu.memory_space<hbm>>
      %dma_wait3A_68 = arith.constant 0 : i32
      %dma_wait3A_69 = arith.constant 0 : i32
      %dma_wait3A_70 = tpu.memref_slice %arg6[%add3A, %dma_wait3A_68, %dma_wait3A_69] : memref<32x1024x119xf32, #tpu.memory_space<hbm>> -> memref<1x1024x119xf32, #tpu.memory_space<hbm>>
      %dma_wait3A_71 = tpu.memref_squeeze %dma_wait3A_70 : memref<1x1024x119xf32, #tpu.memory_space<hbm>> -> memref<1024x119xf32, #tpu.memory_space<hbm>>
      tpu.wait_dma2 semaphore(%run_scoped3A : memref<!tpu.dma_semaphore, #tpu.memory_space<semaphore_mem>>) src(%arg8 : memref<1024x119xf32, #tpu.memory_space<vmem>>) dst(%dma_wait3A_71 : memref<1024x119xf32, #tpu.memory_space<hbm>>)
      tpu.yield
    }) : () -> ()
    return
  }
}

module attributes {stable_mosaic.version = 14 : i64} {
  func.func @_tc_body(%arg0: i32, %arg1: memref<32x128x119xf32, #tpu.memory_space<vmem>>, %arg2: memref<119x128xf32, #tpu.memory_space<vmem>>, %arg3: memref<128x128xf32, #tpu.memory_space<vmem>>) attributes {dimension_semantics = [#tpu.dimension_semantics<arbitrary>], iteration_bounds = array<i64: 8>, scalar_prefetch = 0 : i64, scratch_operands = 0 : i64, tpu.core_type = #tpu.core_type<tc>, window_params = [{transform_indices = @transform_0, window_bounds = array<i64: 32, 128, 119>}, {pipeline_mode = #tpu.pipeline_mode<synchronous>, transform_indices = @transform_1, window_bounds = array<i64: 119, 128>}, {transform_indices = @transform_2, window_bounds = array<i64: 128, 128>}]} {
    %get3A = arith.constant 0 : index
    %get3A_0 = arith.constant 0 : index
    %get3A_1 = arith.constant 0 : index
    %get3A_2 = vector.load %arg1[%get3A, %get3A_0, %get3A_1] : memref<32x128x119xf32, #tpu.memory_space<vmem>>, vector<32x128x119xf32>
    %reduce_sum3A = arith.constant dense<0.000000e+00> : vector<128x119xf32>
    %reduce_sum3A_3 = vector.multi_reduction <add>, %get3A_2, %reduce_sum3A [0] : vector<32x128x119xf32> to vector<128x119xf32>
    %get3A_4 = arith.constant 0 : index
    %get3A_5 = arith.constant 0 : index
    %get3A_6 = vector.load %arg2[%get3A_4, %get3A_5] : memref<119x128xf32, #tpu.memory_space<vmem>>, vector<119x128xf32>
    %dot_general3A = arith.constant dense<0.000000e+00> : vector<128x128xf32>
    %dot_general3A_7 = tpu.matmul %reduce_sum3A_3, %get3A_6, %dot_general3A {dimension_numbers = #tpu.dot_dimension_numbers<[1], [0], [0], [1], [0, 0, 1, 1], [], []>, precision = #tpu.contract_precision<fp32>, transpose_lhs_hint = false} : vector<128x119xf32>, vector<119x128xf32>, vector<128x128xf32> -> vector<128x128xf32>
    %swap3A = arith.constant 0 : index
    %swap3A_8 = arith.constant 0 : index
    %swap3A_9 = vector.load %arg3[%swap3A, %swap3A_8] : memref<128x128xf32, #tpu.memory_space<vmem>>, vector<128x128xf32>
    tpu.vector_store %arg3[%swap3A, %swap3A_8], %dot_general3A_7 {strides = array<i32>} : memref<128x128xf32, #tpu.memory_space<vmem>>, vector<128x128xf32>,
    return
  }
  func.func @transform_0(%arg0: i32) -> (i32, i32, i32) {
    %c0_i32 = arith.constant 0 : i32
    %c0_i32_0 = arith.constant 0 : i32
    %c0_i32_1 = arith.constant 0 : i32
    return %c0_i32, %arg0, %c0_i32_0 : i32, i32, i32
  }
  func.func @transform_1(%arg0: i32) -> (i32, i32) {
    %c0_i32 = arith.constant 0 : i32
    %c0_i32_0 = arith.constant 0 : i32
    %c0_i32_1 = arith.constant 0 : i32
    return %c0_i32, %c0_i32_0 : i32, i32
  }
  func.func @transform_2(%arg0: i32) -> (i32, i32) {
    %c0_i32 = arith.constant 0 : i32
    %c0_i32_0 = arith.constant 0 : i32
    return %arg0, %c0_i32 : i32, i32
  }
}

</mosaic_0001>

<sc_bundles>
// kernel: kernel.4.cloned.1.call-start
scs
__scs_entry_jumppad:
0x0: {  	(pc) =	sbr.rel $0x88, $3  }
0x1: {  	(tag) =	ssettag $0x0;
	lr =	simm.s32 $0x1  }
0x2: {  	[smem:$0x3F9D] =	sst lr;
	_ =	strace $0xD0000000  }
0x3: {  	_ = 	snop  }
0x4: {  	_ = 	snop  }
0x5: {  	_ = 	snop  }
0x6: {  	_ = 	snop  }
0x7: {  	_ = 	snop  }
__scs_overlays_trampoline_lowered:
0x8: {  	[smem:$0x3FAC] =	sst s0  }
0x9: {  	[smem:$0x3FAD] =	sst s1  }
0xa: {  	[smem:$0x3FAE] =	sst s2  }
0xb: {  	[smem:$0x3FAF] =	sst s3  }
0xc: {  	[smem:$0x3FB0] =	sst s4  }
0xd: {  	[smem:$0x3FB1] =	sst s5  }
0xe: {  	[smem:$0x3FB2] =	sst s6  }
0xf: {  	[smem:$0x3FB3] =	sst s7  }
0x10: {  	[smem:$0x3FB4] =	sst s8  }
0x11: {  	[smem:$0x3FB5] =	sst s9;
	s0 =	simm.s32 @!p0 $0x0  }
0x12: {  	s1 =	sld [smem:$0x3F9B];
	s0 =	simm.s32 @p0 $0x1  }
0x13: {  	[smem:$0x3FB6] =	sst s0;
	s0 =	simm.s32 @!p1 $0x0  }
0x14: {  	s2 =	sld [smem:$0x3F9A];
	s0 =	simm.s32 @p1 $0x1  }
0x15: {  	[smem:$0x3FB7] =	sst s0;
	s0 =	simm.s32 @!p2 $0x0  }
0x16: {  	s3 =	sld [smem:$0x3FDB];
	s0 =	simm.s32 @p2 $0x1  }
0x17: {  	s4 =	simm.s32 $0x1BF5;
	[smem:$0x3FB9] =	sst s0  }
0x18: {  	s0 =	sld [smem:$0x3F9C];
	_ =	swait.ge [sflag:s4], $0x0  }
0x19: {  	s7 =	sld [smem:$0x3F9D]  }
0x1a: {  	s8 =	sadd.s32 $0xFFFFE003, lr  }
0x1b: {  	s9 =	sadd.s32 $0xFFFFFEF7, lr;
	s5 =	simm.s32 $0xFFFFFFFF;
	p2 =	slt.u32 s8, $0xFFFFF086  }
0x1c: {  	p1 =	slt.u32 s9, $0xF7A;
	s5 =	simm.s32 @!p2 $0x0  }
0x1d: {  	s5 =	simm.s32 @p1 $0x1;
	p0 =	seq.s32 s7, s2  }
0x1e: {  	s7 =	smul.u32 @!p0 $0xF7A, s2;
	p2 =	seq.s32 @!p0 s5, $0x0  }
0x1f: {  	s9 =	smul.u32 $0xF7A, s1;
	s8 =	simm.s32 @!p0 $0x1BF5;
	p2 =	por !p2, p0  }
0x20: {  	[sflag:s8] =	ssyncset.s32 @!p0 $0xFFFFF086;
	s6 =	sadd.s32 @!p0 s3, s7;
	s7 =	simm.s32 @!p0 $0x108  }
0x21: {  	s3 =	sadd.s32 s3, s9;
	s6 =	sadd.s32 @!p0 $0x88, s6;
	s7 =	simm.s32 @p2 $0x1082  }
0x22: {  	[simem:s7], [sflag:s8] =	dma.local @!p0 [hbm:s6], $0xF7A  }
0x23: {  	s9 =	sor.u32 $0xD0000000, s2;
	s6 =	simm.s32 $0x108;
	_ =	swait.ge @!p0 [sflag:s8], $0x0  }
0x24: {  	s3 =	sadd.s32 $0x88, s3;
	s6 =	simm.s32 @!p1 $0x1082;
	[sflag:s4] =	ssyncset.s32 $0xFFFFF086  }
0x25: {  	[simem:s6], [sflag:s4] =	dma.local [hbm:s3], $0xF7A  }
0x26: {  	[smem:$0x3F9D] =	sst s1;
	(tag) =	ssettag s2;
	_ =	strace s9  }
0x27: {  	s1 =	sld [smem:$0x3FAD]  }
0x28: {  	s2 =	sld [smem:$0x3FAE]  }
0x29: {  	s4 =	sld [smem:$0x3FB0]  }
0x2a: {  	p0 =	seq.s32 s5, $0x0;
	s5 =	sld [smem:$0x3FB1]  }
0x2b: {  	s6 =	sld [smem:$0x3FB2]  }
0x2c: {  	s7 =	sld [smem:$0x3FB3]  }
0x2d: {  	s3 =	simm.s32 $0x108;
	s8 =	sld [smem:$0x3FB4]  }
0x2e: {  	s3 =	simm.s32 @!p0 $0x1082;
	s9 =	sld [smem:$0x3FB5]  }
0x2f: {  	lr =	sadd.s32 s0, s3;
	s0 =	sld [smem:$0x3FAC]  }
0x30: {  	s3 =	sld [smem:$0x3FAF]  }
0x31: {  	[smem:$0x3FB8] =	sst s10  }
0x32: {  	s10 =	sld [smem:$0x3FB6];
	_ =	sdelay $0x3  }
0x33: {  	p0 =	seq.s32 s10, $0x1;
	s10 =	sld [smem:$0x3FB8];
	_ =	sdelay $0x3  }
0x34: {  	[smem:$0x3FB8] =	sst s10  }
0x35: {  	s10 =	sld [smem:$0x3FB7];
	_ =	sdelay $0x3  }
0x36: {  	p1 =	seq.s32 s10, $0x1;
	s10 =	sld [smem:$0x3FB8];
	_ =	sdelay $0x3  }
0x37: {  	[smem:$0x3FB8] =	sst s10  }
0x38: {  	s10 =	sld [smem:$0x3FB9]  }
0x39: {  	_ = 	snop;
	(pc) =	sbr.ind lr, $3  }
0x3a: {  	_ = 	snop  }
0x3b: {  	_ = 	snop  }
0x3c: {  	p2 =	seq.s32 s10, $0x1;
	s10 =	sld [smem:$0x3FB8]  }
0x3d: {  	_ =	shalt  }
0x3e: {  	_ =	shalt  }
0x3f: {  	_ =	shalt  }
0x40: {  	_ =	shalt  }
0x41: {  	_ =	shalt  }
0x42: {  	_ =	shalt  }
0x43: {  	_ =	shalt  }
0x44: {  	_ =	shalt  }
0x45: {  	_ =	shalt  }
0x46: {  	_ =	shalt  }
0x47: {  	_ =	shalt  }
0x48: {  	_ =	shalt  }
0x49: {  	_ =	shalt  }
0x4a: {  	_ =	shalt  }
0x4b: {  	_ =	shalt  }
0x4c: {  	_ =	shalt  }
0x4d: {  	_ =	shalt  }
0x4e: {  	_ =	shalt  }
0x4f: {  	_ =	shalt  }
0x50: {  	_ =	shalt  }
0x51: {  	_ =	shalt  }
0x52: {  	_ =	shalt  }
0x53: {  	_ =	shalt  }
0x54: {  	_ =	shalt  }
0x55: {  	_ =	shalt  }
0x56: {  	_ =	shalt  }
0x57: {  	_ =	shalt  }
0x58: {  	_ =	shalt  }
0x59: {  	_ =	shalt  }
0x5a: {  	_ =	shalt  }
0x5b: {  	_ =	shalt  }
0x5c: {  	_ =	shalt  }
0x5d: {  	_ =	shalt  }
0x5e: {  	_ =	shalt  }
0x5f: {  	_ =	shalt  }
0x60: {  	_ =	shalt  }
0x61: {  	_ =	shalt  }
0x62: {  	_ =	shalt  }
0x63: {  	_ =	shalt  }
0x64: {  	_ =	shalt  }
0x65: {  	_ =	shalt  }
0x66: {  	_ =	shalt  }
0x67: {  	_ =	shalt  }
0x68: {  	_ =	shalt  }
0x69: {  	_ =	shalt  }
0x6a: {  	_ =	shalt  }
0x6b: {  	_ =	shalt  }
0x6c: {  	_ =	shalt  }
0x6d: {  	_ =	shalt  }
0x6e: {  	_ =	shalt  }
0x6f: {  	_ =	shalt  }
0x70: {  	_ =	shalt  }
0x71: {  	_ =	shalt  }
0x72: {  	_ =	shalt  }
0x73: {  	_ =	shalt  }
0x74: {  	_ =	shalt  }
0x75: {  	_ =	shalt  }
0x76: {  	_ =	shalt  }
0x77: {  	_ =	shalt  }
0x78: {  	_ =	shalt  }
0x79: {  	_ =	shalt  }
0x7a: {  	_ =	shalt  }
0x7b: {  	_ =	shalt  }
0x7c: {  	_ =	shalt  }
0x7d: {  	_ =	shalt  }
0x7e: {  	_ =	shalt  }
0x7f: {  	_ =	shalt  }
0x80: {  	_ =	shalt  }
0x81: {  	_ =	shalt  }
0x82: {  	_ =	shalt  }
0x83: {  	_ =	shalt  }
0x84: {  	_ =	shalt  }
0x85: {  	_ =	shalt  }
0x86: {  	_ =	shalt  }
0x87: {  	_ =	shalt  }
.Lfunc_end0:
.L_simem_size_0:
called_computation_lowered:
.L_overlay_start_0:
0x88: {  	s2 =	sld [smem:$0x3FD9]  }
0x89: {  	s3 =	sld [smem:$0x3FFE];
	_ =	sdelay $0x1  }
0x8a: {  	s1 =	srdreg.scid  }
0x8b: {  	s0 =	sand.u32 $0x1, s1  }
0x8c: {  	s17 =	sshll.u32 s0, $0xA;
	s2 =	sadd.s32 s3, s2  }
0x8d: {  	s2 =	sadd.s32 s2, s17  }
0x8e: {  	[smem:$0x3FC4] =	sst s2  }
0x8f: {  	_ = 	snop  }
0x90: {  	s2 =	sld [smem:$0x3FC8]  }
0x91: {  	s18 =	sld [smem:$0x3FC7]  }
0x92: {  	s4 =	sld [smem:$0x3FC6]  }
0x93: {  	s5 =	sld [smem:$0x3FD0];
	(tm) =	ssettm $0x1  }
0x94: {  	s6 =	sld [smem:$0x3FFB];
	_ =	sdelay $0x3  }
0x95: {  	_ =	strace s6  }
0x96: {  	s6 =	sld [smem:$0x3FFC];
	_ =	sdelay $0x3  }
0x97: {  	_ =	strace s6  }
0x98: {  	s6 =	sld [smem:$0x3FFD];
	_ =	sdelay $0x3  }
0x99: {  	_ =	strace s6  }
0x9a: {  	_ =	strace $0x8FFFFFFF  }
0x9b: {  	s19 =	sld [smem:$0x3FDB];
	_ =	sdelay $0x1  }
0x9c: {  	s7 =	simm.s32 $_scs_section_size  }
0x9d: {  	s8 =	simm.s32 $_size__tile_overlayer_lowered;
	s9 =	simm.s32 $_tile_overlayer_lowered  }
0x9e: {  	s22 =	simm.s32 $0x1BFF;
	s21 =	sshll.u32 s9, $0x1;
	s6 =	sadd.s32 s7, s19  }
0x9f: {  	s10 =	simm.s32 $0x0;
	s20 =	sshll.u32 s8, $0x1;
	s8 =	sadd.s32 s21, s6  }
0xa0: {  	[timem:s10], [sflag:s22] =	dma.local [hbm:s8], s20  }
0xa1: {  	_ =	swait.ge [sflag:s22], s20  }
0xa2: {  	s7 =	ssub.s32 $0x0, s20;
	[sflag:s22] =	ssyncset.done $0x0  }
0xa3: {  	[sflag:s22] =	ssyncadd.s32 s7;
	_ =	sdelay $0x1  }
0xa4: {  	s23 =	simm.s32 $0x1B8B  }
0xa5: {  	_ =	swait.ge [sflag:s23], $0x1  }
0xa6: {  	[sflag:s23] =	ssyncset.done $0x0  }
0xa7: {  	s25 =	simm.s32 $0x1B8E;
	s24 =	sld [smem:$0x3FFE];
	[sflag:s23] =	ssyncadd.s32 $0xFFFFFFFF  }
0xa8: {  	s26 =	simm.s32 $execute0_lowered;
	[smem:$0x3FD2] =	sst s25  }
0xa9: {  	s8 =	sshll.u32 s26, $0x1;
	_ =	strace $0x80000046;
	[dreg:$0x1] =	wrdreg $0xFFFFFFFF  }
0xaa: {  	s28 =	simm.s32 $_size_execute0_lowered;
	s6 =	sadd.s32 s6, s8;
	[dreg:$0x0] =	wrdreg $0x0  }
0xab: {  	s8 =	sshll.u32 s28, $0x1;
	[dreg:$0x2] =	wrdreg s6  }
0xac: {  	[dreg:$0x3] =	wrdreg s8  }
0xad: {  	[dreg:$0x4] =	wrdreg $0xC0  }
0xae: {  	_ =	task [dreg:s10], $0x5FFFF  }
0xaf: {  	[dreg:$0x1] =	wrdreg $0xFFFFFFFF  }
0xb0: {  	[dreg:$0x0] =	wrdreg $0x60  }
0xb1: {  	[dreg:$0x2] =	wrdreg s2  }
0xb2: {  	[dreg:$0x3] =	wrdreg s18  }
0xb3: {  	[dreg:$0x4] =	wrdreg s4  }
0xb4: {  	[dreg:$0x5] =	wrdreg s5  }
0xb5: {  	[dreg:$0x6] =	wrdreg s24  }
0xb6: {  	[dreg:$0x7] =	wrdreg $0x9  }
0xb7: {  	_ =	task.clear_ibuf [dreg:s10], $0x8FFFF;
	_ =	strace $0x90000046  }
0xb8: {  	s29 =	simm.s32 $0x9;
	_ =	strace $0x80000048  }
0xb9: {  	_ =	swait.ge [sflag:s29], $0x1  }
0xba: {  	[sflag:s29] =	ssyncadd.s32 $0xFFFFFFFF  }
0xbb: {  	_ =	strace $0x90000048  }
0xbc: {  	_ =	sfence  }
0xbd: {  	s30 =	sld [smem:$0x0];
	_ =	sdelay $0x2  }
0xbe: {  	s31 =	sshll.u32 s1, $0xD;
	s1 =	sshrl.u32 s1, $0x2  }
0xbf: {  	s3 =	sand.u32 $0x4000, s31;
	s1 =	sadd.s32 s1, s30  }
0xc0: {  	s0 =	sor.u32 s3, s0;
	s1 =	sshll.u32 s1, $0x11  }
0xc1: {  	s0 =	sor.u32 s1, s0  }
0xc2: {  	s0 =	sadd.s32 $0x8F2B, s0  }
0xc3: {  	[sflag:s0] =	ssyncadd.remote.s32 $0x1  }
0xc4: {  	_ =	sfence.sel $0xFFFF  }
0xc5: {  	[dreg:$0x0] =	wrdreg $0xFFFFFFFF;
	(pc) =	sbr.abs _section_cstart, $3  }
0xc6: {  	[dreg:$0x1] =	wrdreg $0xFFFFFFFF  }
0xc7: {  	_ =	task.clear_ibuf [dreg:s10], $0x2FFFF;
	_ =	strace $0x9FFFFFFF  }
0xc8: {  	(tm) =	ssettm $0x7FFFFFFF  }
0xc9: {  	_ =	shalt  }
tec
execute0_lowered:
.L_overlay_start_1:
0x0: {  	(tag) =	ssettag $0x1  }
0x1: {  	s1 =	rddreg [dreg:$0x0]  }
0x2: {  	s2 =	rddreg [dreg:$0x1]  }
0x3: {  	s4 =	rddreg [dreg:$0x2]  }
0x4: {  	s3 =	srdreg.scid;
	s5 =	rddreg [dreg:$0x3]  }
0x5: {  	s0 =	stileid.u32;
	s10 =	rddreg [dreg:$0x4];
	s7 =	simm.s32 $0x0  }
0x6: {  	s16 =	simm.s32 $0x1F020;
	s17 =	simm.s32 $0x80;
	s18 =	simm.s32 $0x0  }
0x7: {  	s8 =	sand.u32 $0x1, s3;
	s25 =	sshll.u32 s0, $0x1;
	s12 =	smul.u32 $0xFFFF0600, s0  }
0x8: {  	s3 =	rddreg [dreg:$0x5];
	s9 =	sor.u32 s8, s25;
	s11 =	smul.u32 $0xFFFF8300, s8  }
0x9: {  	[smem:$0x7FF] =	sst s7;
	s8 =	ssub.s32 $0x2, s8;
	s6 =	smul.u32 $0x7D00, s9  }
0xa: {  	_ =	strace $0x80000047;
	s9 =	smul.u32 $0x3C00, s9;
	s30 =	sshrl.u32 s8, $0x1  }
0xb: {  	s11 =	sadd.s32 s12, s11;
	s15 =	ssub.s32 s8, s30;
	s13 =	ssub.s32 $0xF4240, s6  }
0xc: {  	s26 =	sadd.s32 s9, s10;
	s29 =	sadd.s32 $0xF4240, s11;
	s28 =	smin.u32 s13, $0x7D00  }
0xd: {  	s31 =	sshrl.u32 s6, $0x3;
	s10 =	smin.u32 s29, $0x7D00;
	s9 =	smul.u32 $0x8313, s28  }
0xe: {  	s11 =	sadd.s32 $0x600, s26;
	s13 =	smax.u32 s15, $0x1;
	s14 =	smul.u32 $0x8313, s10  }
0xf: {  	s15 =	simm.s32 $0x1E080;
	s10 =	sadd.s32 s2, s31;
	s8 =	sshrl.u32 s9, $0x1A  }
0x10: {  	v0 =	vimm.f32 $1.000000000e+00;
	s9 =	sadd.s32 s1, s31;
	s12 =	sshrl.u32 s14, $0x1A;
	s14 =	simm.s32 $0x5  }
.LBB2_1:
0x11: {  	[tilespmem:s7], [sflag:$0x5] =	stream.linear.gather [hbm4b:s4+s7], $0x77, $0x38;
	v63 =	vld [tilespmem:$0x0]  }
0x12: {  	_ =	swait.ge [sflag:s14], $0x77  }
0x13: {  	[sflag:s14] =	ssyncset.done $0x0  }
0x14: {  	[sflag:s14] =	ssyncadd.s32 $0xFFFFFF89  }
0x15: {  	[tilespmem:s15], [sflag:$0x1] =	stream.linear.gather [hbm4b:s9+s7], $0x7D0, $0x38;
	v63 =	vld [tilespmem:$0x0]  }
0x16: {  	_ = 	snop  }
0x17: {  	[tilespmem:s16], [sflag:$0x3] =	stream.linear.gather [hbm4b:s10+s7], $0x7D0, $0x38;
	v63 =	vld [tilespmem:$0x0]  }
0x18: {  	_ = 	snop  }
0x19: {  	[tilespmem:s17], [sflag:$0x5] =	stream.linear.gather [hbm4b:s5+s7], $0x1E000, $0x38;
	v63 =	vld [tilespmem:$0x0]  }
0x1a: {  	_ =	swait.ge [sflag:s14], $0x1E000  }
0x1b: {  	[sflag:s14] =	ssyncset.done $0x0  }
0x1c: {  	p0 =	por $0x0, $0x0;
	s19 =	simm.s32 $0x0;
	[sflag:s14] =	ssyncadd.s32 $0xFFFE2000  }
.LBB2_3:
0x1d: {  	s20 =	sand.u32 $0x1, s19;
	s19 =	sadd.s32 $0x1, s19  }
0x1e: {  	p1 =	sge.u32 s19, s8  }
0x1f: {  	s22 =	smul.u32 @!p1 $0x7D0, s19  }
0x20: {  	s21 =	sxor.u32 @!p1 $0x1, s20  }
0x21: {  	s23 =	smul.u32 @!p1 $0x7D0, s21;
	s22 =	sadd.s32 @!p1 s6, s22  }
0x22: {  	s29 =	sadd.s32 $0x1, s20;
	s28 =	simm.s32 @!p1 $0x0;
	s22 =	sshrl.u32 @!p1 s22, $0x3  }
0x23: {  	s25 =	sadd.s32 @!p1 $0x1, s21;
	s24 =	sadd.s32 @!p1 $0x1E080, s23;
	s26 =	sadd.s32 @!p1 s1, s22  }
0x24: {  	[tilespmem:s24], [sflag:s25] =	stream.linear.gather @!p1 [hbm4b:s26+s28], $0x7D0, $0x38;
	v63 =	vld [tilespmem:$0x0]  }
0x25: {  	s21 =	sadd.s32 @!p1 $0x3, s21;
	s23 =	sadd.s32 @!p1 $0x1F020, s23;
	s22 =	sadd.s32 @!p1 s2, s22  }
0x26: {  	[tilespmem:s23], [sflag:s21] =	stream.linear.gather @!p1 [hbm4b:s22+s28], $0x7D0, $0x38;
	v63 =	vld [tilespmem:$0x0]  }
0x27: {  	s22 =	simm.s32 $0x1;
	_ =	swait.ge [sflag:s29], $0x7D0  }
0x28: {  	s22 =	simm.s32 @!p0 $0x0;
	[sflag:s29] =	ssyncset.done $0x0  }
0x29: {  	s20 =	sadd.s32 $0x3, s20;
	s22 =	smul.u32 $0x1F40, s22;
	[sflag:s29] =	ssyncadd.s32 $0xFFFFF830  }
0x2a: {  	_ =	swait.ge [sflag:s20], $0x7D0  }
0x2b: {  	s30 =	sshrl.u32 s22, $0x2;
	[sflag:s20] =	ssyncset.done $0x0  }
0x2c: {  	s22 =	sadd.s32 $0x1E0A0, s30;
	[sflag:s20] =	ssyncadd.s32 $0xFFFFF830  }
0x2d: {  	v1 =	vld [tilespmem:s22+$0x20];
	_ =	sdelay $0x2  }
0x2e: {  	v2 =	vld [tilespmem:s22+$0xFFFFFFF0]  }
0x2f: {  	s31 =	sadd.s32 $0x1F040, s30;
	v3 =	vld [tilespmem:s22+$0xFFFFFFE0]  }
0x30: {  	v4 =	vld [tilespmem:s31+$0x20]  }
0x31: {  	v5 =	vld [tilespmem:s22+$0x0]  }
0x32: {  	v6 =	vld [tilespmem:s22+$0x10]  }
0x33: {  	v1 =	vld.idx.msk [tilespmem:v1+s7+$0x0], $0xffff  }
0x34: {  	v7 =	vld [tilespmem:s31+$0xFFFFFFE0]  }
0x35: {  	v8 =	vld [tilespmem:s31+$0xFFFFFFF0]  }
0x36: {  	v9 =	vld [tilespmem:s31+$0x0]  }
0x37: {  	s20 =	sadd.s32 $0x50, s31;
	v11 =	vld [tilespmem:s31+$0x10];
	v4 =	vmul.u32 $0x78, v4  }
0x38: {  	v14 =	vld [tilespmem:s20+$0x20];
	v10 =	vand.u32 $0xFFFFFFF8, v1  }
0x39: {  	s22 =	sadd.s32 $0x50, s22;
	v15 =	vld [tilespmem:s20+$0xFFFFFFE0];
	v1 =	vand.u32 $0x7, v1;
	v4 =	vadd.s32 v4, v10  }
0x3a: {  	v12 =	vld [tilespmem:s22+$0xFFFFFFE0];
	v1 =	vor.u32 v1, v4  }
0x3b: {  	v4 =	vld.idx.msk [tilespmem:v5+s7+$0x0], $0xffff  }
0x3c: {  	v5 =	vld [tilespmem:s22+$0x20]  }
0x3d: {  	v3 =	vld.idx.msk [tilespmem:v3+s7+$0x0], $0xffff  }
0x3e: {  	v2 =	vld.idx.msk [tilespmem:v2+s7+$0x0], $0xffff  }
0x3f: {  	[tilespmem:v1+s17+$0x0] =	vst.idx.add.f32.msk $0xffff, v0  }
0x40: {  	v1 =	vld [tilespmem:s22+$0xFFFFFFF0]  }
0x41: {  	v13 =	vld [tilespmem:s22+$0x10]  }
0x42: {  	v7 =	vmul.u32 $0x78, v7;
	v8 =	vmul.u32 $0x78, v8;
	v9 =	vmul.u32 $0x78, v9;
	v6 =	vld.idx.msk [tilespmem:v6+s7+$0x0], $0xffff  }
0x43: {  	v16 =	vand.u32 $0xFFFFFFF8, v3;
	v3 =	vand.u32 $0x7, v3;
	v17 =	vand.u32 $0xFFFFFFF8, v2;
	v10 =	vld [tilespmem:s22+$0x0]  }
0x44: {  	v2 =	vand.u32 $0x7, v2;
	v7 =	vadd.s32 v7, v16;
	v8 =	vadd.s32 v8, v17;
	v5 =	vld.idx.msk [tilespmem:v5+s7+$0x0], $0xffff  }
0x45: {  	v18 =	vld [tilespmem:s20+$0xFFFFFFF0];
	v7 =	vor.u32 v3, v7;
	v19 =	vor.u32 v2, v8;
	v60 =	vand.u32 $0xFFFFFFF8, v4  }
0x46: {  	v61 =	vld [tilespmem:s20+$0x0];
	v2 =	vmul.u32 $0x78, v11;
	v3 =	vand.u32 $0x7, v4;
	v9 =	vadd.s32 v9, v60  }
0x47: {  	v12 =	vld.idx.msk [tilespmem:v12+s7+$0x0], $0xffff;
	v4 =	vand.u32 $0xFFFFFFF8, v6;
	v20 =	vor.u32 v3, v9  }
0x48: {  	v3 =	vld.idx.msk [tilespmem:v1+s7+$0x0], $0xffff;
	v1 =	vadd.s32 v2, v4;
	v2 =	vand.u32 $0x7, v6;
	v6 =	vmul.u32 $0x78, v14  }
0x49: {  	v62 =	vld [tilespmem:s20+$0x10];
	v9 =	vand.u32 $0xFFFFFFF8, v5  }
0x4a: {  	[tilespmem:v7+s17+$0x0] =	vst.idx.add.f32.msk $0xffff, v0;
	v5 =	vand.u32 $0x7, v5;
	v6 =	vadd.s32 v6, v9  }
0x4b: {  	v4 =	vld.idx.msk [tilespmem:v10+s7+$0x0], $0xffff;
	v6 =	vor.u32 v5, v6  }
0x4c: {  	v1 =	vor.u32 v2, v1;
	v2 =	vld.idx.msk [tilespmem:v13+s7+$0x0], $0xffff  }
0x4d: {  	v8 =	vmul.u32 $0x78, v15;
	v11 =	vand.u32 $0xFFFFFFF8, v12;
	v7 =	vmul.u32 $0x78, v61;
	[tilespmem:v19+s17+$0x0] =	vst.idx.add.f32.msk $0xffff, v0  }
0x4e: {  	s21 =	simm.s32 $0x5;
	s22 =	sadd.s32 $0x50, s22;
	[tilespmem:v20+s17+$0x0] =	vst.idx.add.f32.msk $0xffff, v0;
	v10 =	vand.u32 $0x7, v12;
	v9 =	vmul.u32 $0x78, v18;
	v5 =	vmul.u32 $0x78, v62  }
.LBB2_4:
0x4f: {  	v12 =	vld [tilespmem:s22+$0x20];
	s21 =	sadd.s32 $0x5, s21;
	v8 =	vadd.s32 v8, v11;
	v11 =	vand.u32 $0xFFFFFFF8, v3;
	v3 =	vand.u32 $0x7, v3  }
0x50: {  	p1 =	slt.u32 s21, $0x78;
	v9 =	vadd.s32 v9, v11;
	v11 =	vand.u32 $0xFFFFFFF8, v4;
	v4 =	vand.u32 $0x7, v4;
	[tilespmem:v6+s17+$0x0] =	vst.idx.add.f32.msk $0xffff, v0  }
0x51: {  	v6 =	vld [tilespmem:s22+$0xFFFFFFF0];
	v7 =	vadd.s32 v7, v11;
	v11 =	vand.u32 $0xFFFFFFF8, v2;
	v2 =	vand.u32 $0x7, v2  }
0x52: {  	v10 =	vor.u32 v10, v8;
	v14 =	vor.u32 v3, v9;
	v13 =	vld [tilespmem:s22+$0x0];
	v3 =	vadd.s32 v5, v11  }
0x53: {  	v15 =	vor.u32 v4, v7;
	v5 =	vld [tilespmem:s22+$0x10];
	v2 =	vor.u32 v2, v3  }
0x54: {  	v3 =	vld [tilespmem:s22+$0xFFFFFFE0]  }
0x55: {  	s20 =	sadd.s32 $0x50, s20;
	[tilespmem:v1+s17+$0x0] =	vst.idx.add.f32.msk $0xffff, v0;
	v1 =	vmov v2  }
0x56: {  	v2 =	vld [tilespmem:s20+$0x20]  }
0x57: {  	v7 =	vld.idx.msk [tilespmem:v12+s7+$0x0], $0xffff  }
0x58: {  	v4 =	vld [tilespmem:s20+$0xFFFFFFE0]  }
0x59: {  	v9 =	vld [tilespmem:s20+$0xFFFFFFF0]  }
0x5a: {  	v11 =	vld [tilespmem:s20+$0x0]  }
0x5b: {  	v12 =	vld [tilespmem:s20+$0x10]  }
0x5c: {  	v2 =	vmul.u32 $0x78, v2;
	v16 =	vld.idx.msk [tilespmem:v3+s7+$0x0], $0xffff  }
0x5d: {  	v8 =	vmul.u32 $0x78, v4;
	v3 =	vld.idx.msk [tilespmem:v6+s7+$0x0], $0xffff;
	v6 =	vand.u32 $0xFFFFFFF8, v7  }
.Ltmp0:
0x5e: {  	v9 =	vmul.u32 $0x78, v9;
	v4 =	vld.idx.msk [tilespmem:v13+s7+$0x0], $0xffff;
	v13 =	vand.u32 $0x7, v7;
	v6 =	vadd.s32 v2, v6;
	(pc) =	sbr.rel @p1 .LBB2_4-.Ltmp0, $4  }
0x5f: {  	v7 =	vmul.u32 $0x78, v11;
	v2 =	vld.idx.msk [tilespmem:v5+s7+$0x0], $0xffff;
	v6 =	vor.u32 v13, v6  }
0x60: {  	v5 =	vmul.u32 $0x78, v12;
	[tilespmem:v10+s17+$0x0] =	vst.idx.add.f32.msk $0xffff, v0  }
0x61: {  	[tilespmem:v14+s17+$0x0] =	vst.idx.add.f32.msk $0xffff, v0  }
0x62: {  	s22 =	sadd.s32 $0x50, s22;
	v11 =	vand.u32 $0xFFFFFFF8, v16;
	v10 =	vand.u32 $0x7, v16;
	[tilespmem:v15+s17+$0x0] =	vst.idx.add.f32.msk $0xffff, v0  }
0x63: {  	v12 =	vand.u32 $0xFFFFFFF8, v3  }
0x64: {  	v8 =	vadd.s32 v8, v11;
	v3 =	vand.u32 $0x7, v3;
	v60 =	vand.u32 $0xFFFFFFF8, v4  }
0x65: {  	v61 =	vand.u32 $0x7, v4;
	v9 =	vadd.s32 v9, v12;
	v8 =	vor.u32 v10, v8  }
0x66: {  	v7 =	vadd.s32 v7, v60;
	v62 =	vand.u32 $0xFFFFFFF8, v2;
	v3 =	vor.u32 v3, v9  }
0x67: {  	v2 =	vand.u32 $0x7, v2;
	v5 =	vadd.s32 v5, v62;
	v4 =	vor.u32 v61, v7  }
0x68: {  	[tilespmem:v6+s17+$0x0] =	vst.idx.add.f32.msk $0xffff, v0;
	v2 =	vor.u32 v2, v5  }
0x69: {  	[tilespmem:v1+s17+$0x0] =	vst.idx.add.f32.msk $0xffff, v0  }
0x6a: {  	[tilespmem:v8+s17+$0x0] =	vst.idx.add.f32.msk $0xffff, v0  }
0x6b: {  	[tilespmem:v3+s17+$0x0] =	vst.idx.add.f32.msk $0xffff, v0  }
0x6c: {  	[tilespmem:v4+s17+$0x0] =	vst.idx.add.f32.msk $0xffff, v0  }
0x6d: {  	[tilespmem:v2+s17+$0x0] =	vst.idx.add.f32.msk $0xffff, v0  }
0x6e: {  	p1 =	seq.s32 s19, s12  }
.Ltmp1:
0x6f: {  	_ = 	snop;
	(pc) =	sbr.rel @!p1 .LBB2_3-.Ltmp1, $2  }
0x70: {  	_ =	sdelay $0x2  }
0x71: {  	p0 =	por !p0, !p0  }
0x72: {  	s18 =	sadd.s32 $0x1, s18  }
0x73: {  	p0 =	sne.s32 s18, s13  }
.Ltmp2:
0x74: {  	_ = 	snop;
	(pc) =	sbr.rel @p0 .LBB2_1-.Ltmp2, $4  }
0x75: {  	[hbm4b:s11+s7] =	stream.linear.scatter [tilespmem:s17], [sflag:$0x5], $0x1E000, $0x38;
	v63 =	vld [tilespmem:$0x0]  }
0x76: {  	_ =	swait.ge [sflag:s14], $0x1E000  }
0x77: {  	[sflag:s14] =	ssyncset.done $0x0  }
0x78: {  	[sflag:s14] =	ssyncadd.s32 $0xFFFE2000  }
0x79: {  	_ =	sfence.sel $0x180000  }
0x7a: {  	[bflag:$0x0] =	sbarrier.arrive $0xFFFF  }
0x7b: {  	p0 =	sne.s32 s0, $0x0;
	_ =	strace $0x90000047  }
0x7c: {  	s0 =	sadd.s32 @!p0 $0x100000, s3;
	[bflag:$0x2] =	sbarrier.arrive $0xFFFF  }
0x7d: {  	[sflag:s0] =	ssyncadd.tile.s32 @!p0 $0x1;
	_ =	shalt  }
.Lfunc_end2:
_tile_overlayer_lowered:
.L_overlay_start_2:
0x7e: {  	(tag) =	ssettag $0x2  }
0x7f: {  	s0 =	rddreg [dreg:$0x0];
	s2 =	stileid.u32  }
0x80: {  	s1 =	rddreg [dreg:$0x1];
	p0 =	sne.s32 s2, $0x0  }
0x81: {  	s3 =	rddreg [dreg:$0x2];
	[bflag:$0x3] =	sbarrier.arrive $0xFFFF;
	s2 =	simm.s32 @!p0 $0x1C05  }
0x82: {  	[timem:s3], [sflag:s2] =	dma.local @!p0 [hbm:s0], s1  }
0x83: {  	s0 =	simm.s32 @!p0 $0x5  }
0x84: {  	_ =	swait.ge @!p0 [sflag:s0], s1  }
0x85: {  	s1 =	ssub.s32 @!p0 $0x0, s1;
	[sflag:s0] =	ssyncset.done @!p0 $0x0  }
0x86: {  	[sflag:s0] =	ssyncadd.s32 @!p0 s1  }
0x87: {  	[bflag:$0x3] =	sbarrier.arrive $0xFFFF  }
0x88: {  	_ =	shalt  }

</sc_bundles>
